<compile_context>
chip_gen: v7x
topology: tpu7x:2x2x1
jax: 0.10.2.dev20260603
libtpu: 0.0.44.dev20260713+nightly
codegen_flags: <defaults>
</compile_context>

<pallas_src>
import functools

import jax
import jax.numpy as jnp
from jax import lax
from jax.experimental import pallas as pl
from jax.experimental.pallas import tpu as pltpu
from jax.experimental.pallas import tpu_sc as plsc

BATCH = 16384
COLS = 4
TOT = BATCH * COLS
NC, NS, L = 2, 16, 16
NW = NC * NS
ROWS_W = BATCH // NW

_mesh = plsc.VectorSubcoreMesh(core_axis_name="c", subcore_axis_name="s")


@functools.partial(
    pl.kernel,
    mesh=_mesh,
    out_type=jax.ShapeDtypeStruct((TOT,), jnp.float32),
    scratch_types=(
        [pltpu.VMEM((ROWS_W,), jnp.int32) for _ in range(COLS)]
        + [pltpu.VMEM((ROWS_W,), jnp.float32) for _ in range(COLS)]
        + [pltpu.VMEM((ROWS_W,), jnp.float32) for _ in range(COLS)]
        + [pltpu.SemaphoreType.DMA((COLS,)),
           pltpu.SemaphoreType.DMA((COLS,)),
           pltpu.SemaphoreType.DMA((COLS,))]
    ),
)
def _gather_sc(xt, embed, s_cm, *refs):
    idx_v = refs[0:COLS]
    val_v = refs[COLS:2 * COLS]
    out_v = refs[2 * COLS:3 * COLS]
    sem_i, sem_g, sem_o = refs[3 * COLS:]

    wid = lax.axis_index("s") * NC + lax.axis_index("c")
    rbase = wid * ROWS_W

    idx_cp = [
        pltpu.async_copy(xt.at[pl.ds(c * BATCH + rbase, ROWS_W)], idx_v[c],
                         sem_i.at[c])
        for c in range(COLS)
    ]
    gathers = []
    for c in range(COLS):
        idx_cp[c].wait()
        gathers.append(
            pltpu.async_copy(embed.at[idx_v[c]], val_v[c], sem_g.at[c]))
    for g in gathers:
        g.wait()

    def body(i, carry):
        sl = pl.ds(i * L, L)
        v = [val_v[c][sl] for c in range(COLS)]
        t = (v[0] + v[1]) + (v[2] + v[3])
        for c in range(COLS):
            out_v[c][sl] = 4.0 * v[c] - t
        return carry

    lax.fori_loop(0, ROWS_W // L, body, 0)
    out_cp = [
        pltpu.async_copy(out_v[c], s_cm.at[pl.ds(c * BATCH + rbase, ROWS_W)],
                         sem_o.at[c])
        for c in range(COLS)
    ]
    for cp in out_cp:
        cp.wait()


def kernel(X, embed):
    xt = X.T.reshape(TOT)
    ef = embed.reshape(embed.shape[0])
    s_cm = _gather_sc(xt, ef)
    return s_cm.reshape(COLS, BATCH).T

# --- scband reference (transcript-rebuilt; emitter-appended) ---
"""Pipeline reference for scband-bt-89464168775712 (READ-ONLY COPY).

The authoritative reference and input builder live on the scoring server;
editing this copy changes nothing except your own understanding.
"""

import jax, jax.numpy as jnp
import numpy as np

N_PLAYERS = 1000000
BATCH = 16384


def setup_inputs(seed: int = 0) -> dict:
    key = jax.random.key(seed)
    k1, k2 = jax.random.split(key)
    X = jax.random.randint(k1, (BATCH, 4), 0, N_PLAYERS)
    embed = jax.random.normal(k2, (N_PLAYERS, 1), dtype=jnp.float32) * 0.02
    return {"X": X, "embed": embed}


def reference(X, embed):
    # transform = 4*I - ones, a fixed 4x4 constant
    transform = 4.0 * jnp.eye(4, dtype=jnp.float32) - jnp.ones((4, 4), dtype=jnp.float32)
    # embedding lookup: [B, 4, 1] -> squeeze -> [B, 4]
    strength = jnp.squeeze(jnp.take(embed, X, axis=0), axis=-1)
    # [B, 4] @ [4, 4]
    return strength @ transform

if __name__ == "__main__":
    import jax
    _d = setup_inputs()
    print(jax.jit(kernel)(*tuple(_d.values())))

</pallas_src>

<mosaic_0001>
#map = affine_map<(d0, d1) -> (0)>
module attributes {stable_mosaic.version = 14 : i64} {
  func.func @_gather_sc(%arg0: i32, %arg1: i32, %arg2: memref<65536xi32, #tpu.memory_space<hbm>>, %arg3: memref<1000000xf32, #tpu.memory_space<hbm>>, %arg4: memref<65536xf32, #tpu.memory_space<hbm>>, %arg5: memref<512xi32, #tpu.memory_space<vmem>>, %arg6: memref<512xi32, #tpu.memory_space<vmem>>, %arg7: memref<512xi32, #tpu.memory_space<vmem>>, %arg8: memref<512xi32, #tpu.memory_space<vmem>>, %arg9: memref<512xf32, #tpu.memory_space<vmem>>, %arg10: memref<512xf32, #tpu.memory_space<vmem>>, %arg11: memref<512xf32, #tpu.memory_space<vmem>>, %arg12: memref<512xf32, #tpu.memory_space<vmem>>, %arg13: memref<512xf32, #tpu.memory_space<vmem>>, %arg14: memref<512xf32, #tpu.memory_space<vmem>>, %arg15: memref<512xf32, #tpu.memory_space<vmem>>, %arg16: memref<512xf32, #tpu.memory_space<vmem>>, %arg17: memref<4x!tpu.dma_semaphore, #tpu.memory_space<semaphore_mem>>, %arg18: memref<4x!tpu.dma_semaphore, #tpu.memory_space<semaphore_mem>>, %arg19: memref<4x!tpu.dma_semaphore, #tpu.memory_space<semaphore_mem>>) attributes {dimension_semantics = [#tpu.dimension_semantics<core_parallel>, #tpu.dimension_semantics<subcore_parallel>], iteration_bounds = array<i64: 2, 16>, scalar_prefetch = 0 : i64, scratch_operands = 15 : i64, tpu.core_type = #tpu.core_type<sc_vector_subcore>, window_params = [{transform_indices = #map}, {transform_indices = #map}, {transform_indices = #map}]} {
    %mul3A = arith.constant 2 : i32
    %mul3A_0 = arith.muli %arg1, %mul3A : i32
    %add3A = arith.addi %mul3A_0, %arg0 : i32
    %mul3A_1 = arith.constant 512 : i32
    %mul3A_2 = arith.muli %add3A, %mul3A_1 : i32
    %add3A_3 = arith.constant 0 : i32
    %add3A_4 = arith.addi %add3A_3, %mul3A_2 : i32
    %dma_start3A = arith.constant 0 : i32
    %dma_start3A_5 = tpu.memref_slice %arg2[%add3A_4] : memref<65536xi32, #tpu.memory_space<hbm>> -> memref<512xi32, #tpu.memory_space<hbm>>
    %dma_start3A_6 = tpu.memref_slice %arg17[%dma_start3A] : memref<4x!tpu.dma_semaphore, #tpu.memory_space<semaphore_mem>> -> memref<1x!tpu.dma_semaphore, #tpu.memory_space<semaphore_mem>>
    %dma_start3A_7 = tpu.memref_squeeze %dma_start3A_6 : memref<1x!tpu.dma_semaphore, #tpu.memory_space<semaphore_mem>> -> memref<!tpu.dma_semaphore, #tpu.memory_space<semaphore_mem>>
    %dma_start3A_8 = tpu.memref_slice %arg2[%add3A_4] : memref<65536xi32, #tpu.memory_space<hbm>> -> memref<512xi32, #tpu.memory_space<hbm>>
    tpu.enqueue_dma source(%dma_start3A_8 : memref<512xi32, #tpu.memory_space<hbm>>) target(%arg5 : memref<512xi32, #tpu.memory_space<vmem>>) target_semaphore(%dma_start3A_7 : memref<!tpu.dma_semaphore, #tpu.memory_space<semaphore_mem>>)
    %add3A_9 = arith.constant 16384 : i32
    %add3A_10 = arith.addi %add3A_9, %mul3A_2 : i32
    %dma_start3A_11 = arith.constant 1 : i32
    %dma_start3A_12 = tpu.memref_slice %arg2[%add3A_10] : memref<65536xi32, #tpu.memory_space<hbm>> -> memref<512xi32, #tpu.memory_space<hbm>>
    %dma_start3A_13 = tpu.memref_slice %arg17[%dma_start3A_11] : memref<4x!tpu.dma_semaphore, #tpu.memory_space<semaphore_mem>> -> memref<1x!tpu.dma_semaphore, #tpu.memory_space<semaphore_mem>>
    %dma_start3A_14 = tpu.memref_squeeze %dma_start3A_13 : memref<1x!tpu.dma_semaphore, #tpu.memory_space<semaphore_mem>> -> memref<!tpu.dma_semaphore, #tpu.memory_space<semaphore_mem>>
    %dma_start3A_15 = tpu.memref_slice %arg2[%add3A_10] : memref<65536xi32, #tpu.memory_space<hbm>> -> memref<512xi32, #tpu.memory_space<hbm>>
    tpu.enqueue_dma source(%dma_start3A_15 : memref<512xi32, #tpu.memory_space<hbm>>) target(%arg6 : memref<512xi32, #tpu.memory_space<vmem>>) target_semaphore(%dma_start3A_14 : memref<!tpu.dma_semaphore, #tpu.memory_space<semaphore_mem>>)
    %add3A_16 = arith.constant 32768 : i32
    %add3A_17 = arith.addi %add3A_16, %mul3A_2 : i32
    %dma_start3A_18 = arith.constant 2 : i32
    %dma_start3A_19 = tpu.memref_slice %arg2[%add3A_17] : memref<65536xi32, #tpu.memory_space<hbm>> -> memref<512xi32, #tpu.memory_space<hbm>>
    %dma_start3A_20 = tpu.memref_slice %arg17[%dma_start3A_18] : memref<4x!tpu.dma_semaphore, #tpu.memory_space<semaphore_mem>> -> memref<1x!tpu.dma_semaphore, #tpu.memory_space<semaphore_mem>>
    %dma_start3A_21 = tpu.memref_squeeze %dma_start3A_20 : memref<1x!tpu.dma_semaphore, #tpu.memory_space<semaphore_mem>> -> memref<!tpu.dma_semaphore, #tpu.memory_space<semaphore_mem>>
    %dma_start3A_22 = tpu.memref_slice %arg2[%add3A_17] : memref<65536xi32, #tpu.memory_space<hbm>> -> memref<512xi32, #tpu.memory_space<hbm>>
    tpu.enqueue_dma source(%dma_start3A_22 : memref<512xi32, #tpu.memory_space<hbm>>) target(%arg7 : memref<512xi32, #tpu.memory_space<vmem>>) target_semaphore(%dma_start3A_21 : memref<!tpu.dma_semaphore, #tpu.memory_space<semaphore_mem>>)
    %add3A_23 = arith.constant 49152 : i32
    %add3A_24 = arith.addi %add3A_23, %mul3A_2 : i32
    %dma_start3A_25 = arith.constant 3 : i32
    %dma_start3A_26 = tpu.memref_slice %arg2[%add3A_24] : memref<65536xi32, #tpu.memory_space<hbm>> -> memref<512xi32, #tpu.memory_space<hbm>>
    %dma_start3A_27 = tpu.memref_slice %arg17[%dma_start3A_25] : memref<4x!tpu.dma_semaphore, #tpu.memory_space<semaphore_mem>> -> memref<1x!tpu.dma_semaphore, #tpu.memory_space<semaphore_mem>>
    %dma_start3A_28 = tpu.memref_squeeze %dma_start3A_27 : memref<1x!tpu.dma_semaphore, #tpu.memory_space<semaphore_mem>> -> memref<!tpu.dma_semaphore, #tpu.memory_space<semaphore_mem>>
    %dma_start3A_29 = tpu.memref_slice %arg2[%add3A_24] : memref<65536xi32, #tpu.memory_space<hbm>> -> memref<512xi32, #tpu.memory_space<hbm>>
    tpu.enqueue_dma source(%dma_start3A_29 : memref<512xi32, #tpu.memory_space<hbm>>) target(%arg8 : memref<512xi32, #tpu.memory_space<vmem>>) target_semaphore(%dma_start3A_28 : memref<!tpu.dma_semaphore, #tpu.memory_space<semaphore_mem>>)
    %dma_wait3A = arith.constant 0 : i32
    %dma_wait3A_30 = tpu.memref_slice %arg2[%add3A_4] : memref<65536xi32, #tpu.memory_space<hbm>> -> memref<512xi32, #tpu.memory_space<hbm>>
    %dma_wait3A_31 = tpu.memref_slice %arg17[%dma_wait3A] : memref<4x!tpu.dma_semaphore, #tpu.memory_space<semaphore_mem>> -> memref<1x!tpu.dma_semaphore, #tpu.memory_space<semaphore_mem>>
    %dma_wait3A_32 = tpu.memref_squeeze %dma_wait3A_31 : memref<1x!tpu.dma_semaphore, #tpu.memory_space<semaphore_mem>> -> memref<!tpu.dma_semaphore, #tpu.memory_space<semaphore_mem>>
    %dma_wait3A_33 = tpu.memref_slice %arg2[%add3A_4] : memref<65536xi32, #tpu.memory_space<hbm>> -> memref<512xi32, #tpu.memory_space<hbm>>
    tpu.wait_dma2 semaphore(%dma_wait3A_32 : memref<!tpu.dma_semaphore, #tpu.memory_space<semaphore_mem>>) src(%dma_wait3A_33 : memref<512xi32, #tpu.memory_space<hbm>>) dst(%arg5 : memref<512xi32, #tpu.memory_space<vmem>>)
    %dma_start3A_34 = arith.constant 0 : i32
    %dma_start3A_35 = arith.constant 0 : i32
    %dma_start3A_36 = tpu.memref_slice %arg3[%dma_start3A_35] : memref<1000000xf32, #tpu.memory_space<hbm>> -> memref<1000000xf32, #tpu.memory_space<hbm>>
    %dma_start3A_37 = tpu.memref_slice %arg18[%dma_start3A_34] : memref<4x!tpu.dma_semaphore, #tpu.memory_space<semaphore_mem>> -> memref<1x!tpu.dma_semaphore, #tpu.memory_space<semaphore_mem>>
    %dma_start3A_38 = tpu.memref_squeeze %dma_start3A_37 : memref<1x!tpu.dma_semaphore, #tpu.memory_space<semaphore_mem>> -> memref<!tpu.dma_semaphore, #tpu.memory_space<semaphore_mem>>
    tpu.enqueue_indirect_dma source(%dma_start3A_36 : memref<1000000xf32, #tpu.memory_space<hbm>>) target(%arg9 : memref<512xf32, #tpu.memory_space<vmem>>) offsets(%arg5 : memref<512xi32, #tpu.memory_space<vmem>>) semaphore(%dma_start3A_38 : memref<!tpu.dma_semaphore, #tpu.memory_space<semaphore_mem>>)
    %dma_wait3A_39 = arith.constant 1 : i32
    %dma_wait3A_40 = tpu.memref_slice %arg2[%add3A_10] : memref<65536xi32, #tpu.memory_space<hbm>> -> memref<512xi32, #tpu.memory_space<hbm>>
    %dma_wait3A_41 = tpu.memref_slice %arg17[%dma_wait3A_39] : memref<4x!tpu.dma_semaphore, #tpu.memory_space<semaphore_mem>> -> memref<1x!tpu.dma_semaphore, #tpu.memory_space<semaphore_mem>>
    %dma_wait3A_42 = tpu.memref_squeeze %dma_wait3A_41 : memref<1x!tpu.dma_semaphore, #tpu.memory_space<semaphore_mem>> -> memref<!tpu.dma_semaphore, #tpu.memory_space<semaphore_mem>>
    %dma_wait3A_43 = tpu.memref_slice %arg2[%add3A_10] : memref<65536xi32, #tpu.memory_space<hbm>> -> memref<512xi32, #tpu.memory_space<hbm>>
    tpu.wait_dma2 semaphore(%dma_wait3A_42 : memref<!tpu.dma_semaphore, #tpu.memory_space<semaphore_mem>>) src(%dma_wait3A_43 : memref<512xi32, #tpu.memory_space<hbm>>) dst(%arg6 : memref<512xi32, #tpu.memory_space<vmem>>)
    %dma_start3A_44 = arith.constant 1 : i32
    %dma_start3A_45 = arith.constant 0 : i32
    %dma_start3A_46 = tpu.memref_slice %arg3[%dma_start3A_45] : memref<1000000xf32, #tpu.memory_space<hbm>> -> memref<1000000xf32, #tpu.memory_space<hbm>>
    %dma_start3A_47 = tpu.memref_slice %arg18[%dma_start3A_44] : memref<4x!tpu.dma_semaphore, #tpu.memory_space<semaphore_mem>> -> memref<1x!tpu.dma_semaphore, #tpu.memory_space<semaphore_mem>>
    %dma_start3A_48 = tpu.memref_squeeze %dma_start3A_47 : memref<1x!tpu.dma_semaphore, #tpu.memory_space<semaphore_mem>> -> memref<!tpu.dma_semaphore, #tpu.memory_space<semaphore_mem>>
    tpu.enqueue_indirect_dma source(%dma_start3A_46 : memref<1000000xf32, #tpu.memory_space<hbm>>) target(%arg10 : memref<512xf32, #tpu.memory_space<vmem>>) offsets(%arg6 : memref<512xi32, #tpu.memory_space<vmem>>) semaphore(%dma_start3A_48 : memref<!tpu.dma_semaphore, #tpu.memory_space<semaphore_mem>>)
    %dma_wait3A_49 = arith.constant 2 : i32
    %dma_wait3A_50 = tpu.memref_slice %arg2[%add3A_17] : memref<65536xi32, #tpu.memory_space<hbm>> -> memref<512xi32, #tpu.memory_space<hbm>>
    %dma_wait3A_51 = tpu.memref_slice %arg17[%dma_wait3A_49] : memref<4x!tpu.dma_semaphore, #tpu.memory_space<semaphore_mem>> -> memref<1x!tpu.dma_semaphore, #tpu.memory_space<semaphore_mem>>
    %dma_wait3A_52 = tpu.memref_squeeze %dma_wait3A_51 : memref<1x!tpu.dma_semaphore, #tpu.memory_space<semaphore_mem>> -> memref<!tpu.dma_semaphore, #tpu.memory_space<semaphore_mem>>
    %dma_wait3A_53 = tpu.memref_slice %arg2[%add3A_17] : memref<65536xi32, #tpu.memory_space<hbm>> -> memref<512xi32, #tpu.memory_space<hbm>>
    tpu.wait_dma2 semaphore(%dma_wait3A_52 : memref<!tpu.dma_semaphore, #tpu.memory_space<semaphore_mem>>) src(%dma_wait3A_53 : memref<512xi32, #tpu.memory_space<hbm>>) dst(%arg7 : memref<512xi32, #tpu.memory_space<vmem>>)
    %dma_start3A_54 = arith.constant 2 : i32
    %dma_start3A_55 = arith.constant 0 : i32
    %dma_start3A_56 = tpu.memref_slice %arg3[%dma_start3A_55] : memref<1000000xf32, #tpu.memory_space<hbm>> -> memref<1000000xf32, #tpu.memory_space<hbm>>
    %dma_start3A_57 = tpu.memref_slice %arg18[%dma_start3A_54] : memref<4x!tpu.dma_semaphore, #tpu.memory_space<semaphore_mem>> -> memref<1x!tpu.dma_semaphore, #tpu.memory_space<semaphore_mem>>
    %dma_start3A_58 = tpu.memref_squeeze %dma_start3A_57 : memref<1x!tpu.dma_semaphore, #tpu.memory_space<semaphore_mem>> -> memref<!tpu.dma_semaphore, #tpu.memory_space<semaphore_mem>>
    tpu.enqueue_indirect_dma source(%dma_start3A_56 : memref<1000000xf32, #tpu.memory_space<hbm>>) target(%arg11 : memref<512xf32, #tpu.memory_space<vmem>>) offsets(%arg7 : memref<512xi32, #tpu.memory_space<vmem>>) semaphore(%dma_start3A_58 : memref<!tpu.dma_semaphore, #tpu.memory_space<semaphore_mem>>)
    %dma_wait3A_59 = arith.constant 3 : i32
    %dma_wait3A_60 = tpu.memref_slice %arg2[%add3A_24] : memref<65536xi32, #tpu.memory_space<hbm>> -> memref<512xi32, #tpu.memory_space<hbm>>
    %dma_wait3A_61 = tpu.memref_slice %arg17[%dma_wait3A_59] : memref<4x!tpu.dma_semaphore, #tpu.memory_space<semaphore_mem>> -> memref<1x!tpu.dma_semaphore, #tpu.memory_space<semaphore_mem>>
    %dma_wait3A_62 = tpu.memref_squeeze %dma_wait3A_61 : memref<1x!tpu.dma_semaphore, #tpu.memory_space<semaphore_mem>> -> memref<!tpu.dma_semaphore, #tpu.memory_space<semaphore_mem>>
    %dma_wait3A_63 = tpu.memref_slice %arg2[%add3A_24] : memref<65536xi32, #tpu.memory_space<hbm>> -> memref<512xi32, #tpu.memory_space<hbm>>
    tpu.wait_dma2 semaphore(%dma_wait3A_62 : memref<!tpu.dma_semaphore, #tpu.memory_space<semaphore_mem>>) src(%dma_wait3A_63 : memref<512xi32, #tpu.memory_space<hbm>>) dst(%arg8 : memref<512xi32, #tpu.memory_space<vmem>>)
    %dma_start3A_64 = arith.constant 3 : i32
    %dma_start3A_65 = arith.constant 0 : i32
    %dma_start3A_66 = tpu.memref_slice %arg3[%dma_start3A_65] : memref<1000000xf32, #tpu.memory_space<hbm>> -> memref<1000000xf32, #tpu.memory_space<hbm>>
    %dma_start3A_67 = tpu.memref_slice %arg18[%dma_start3A_64] : memref<4x!tpu.dma_semaphore, #tpu.memory_space<semaphore_mem>> -> memref<1x!tpu.dma_semaphore, #tpu.memory_space<semaphore_mem>>
    %dma_start3A_68 = tpu.memref_squeeze %dma_start3A_67 : memref<1x!tpu.dma_semaphore, #tpu.memory_space<semaphore_mem>> -> memref<!tpu.dma_semaphore, #tpu.memory_space<semaphore_mem>>
    tpu.enqueue_indirect_dma source(%dma_start3A_66 : memref<1000000xf32, #tpu.memory_space<hbm>>) target(%arg12 : memref<512xf32, #tpu.memory_space<vmem>>) offsets(%arg8 : memref<512xi32, #tpu.memory_space<vmem>>) semaphore(%dma_start3A_68 : memref<!tpu.dma_semaphore, #tpu.memory_space<semaphore_mem>>)
    %dma_wait3A_69 = arith.constant 0 : i32
    %dma_wait3A_70 = arith.constant 0 : i32
    %dma_wait3A_71 = tpu.memref_slice %arg3[%dma_wait3A_70] : memref<1000000xf32, #tpu.memory_space<hbm>> -> memref<1000000xf32, #tpu.memory_space<hbm>>
    %dma_wait3A_72 = tpu.memref_slice %arg18[%dma_wait3A_69] : memref<4x!tpu.dma_semaphore, #tpu.memory_space<semaphore_mem>> -> memref<1x!tpu.dma_semaphore, #tpu.memory_space<semaphore_mem>>
    %dma_wait3A_73 = tpu.memref_squeeze %dma_wait3A_72 : memref<1x!tpu.dma_semaphore, #tpu.memory_space<semaphore_mem>> -> memref<!tpu.dma_semaphore, #tpu.memory_space<semaphore_mem>>
    tpu.wait_indirect_dma semaphore(%dma_wait3A_73 : memref<!tpu.dma_semaphore, #tpu.memory_space<semaphore_mem>>) src(%dma_wait3A_71 : memref<1000000xf32, #tpu.memory_space<hbm>>) dst(%arg9 : memref<512xf32, #tpu.memory_space<vmem>>)
    %dma_wait3A_74 = arith.constant 1 : i32
    %dma_wait3A_75 = arith.constant 0 : i32
    %dma_wait3A_76 = tpu.memref_slice %arg3[%dma_wait3A_75] : memref<1000000xf32, #tpu.memory_space<hbm>> -> memref<1000000xf32, #tpu.memory_space<hbm>>
    %dma_wait3A_77 = tpu.memref_slice %arg18[%dma_wait3A_74] : memref<4x!tpu.dma_semaphore, #tpu.memory_space<semaphore_mem>> -> memref<1x!tpu.dma_semaphore, #tpu.memory_space<semaphore_mem>>
    %dma_wait3A_78 = tpu.memref_squeeze %dma_wait3A_77 : memref<1x!tpu.dma_semaphore, #tpu.memory_space<semaphore_mem>> -> memref<!tpu.dma_semaphore, #tpu.memory_space<semaphore_mem>>
    tpu.wait_indirect_dma semaphore(%dma_wait3A_78 : memref<!tpu.dma_semaphore, #tpu.memory_space<semaphore_mem>>) src(%dma_wait3A_76 : memref<1000000xf32, #tpu.memory_space<hbm>>) dst(%arg10 : memref<512xf32, #tpu.memory_space<vmem>>)
    %dma_wait3A_79 = arith.constant 2 : i32
    %dma_wait3A_80 = arith.constant 0 : i32
    %dma_wait3A_81 = tpu.memref_slice %arg3[%dma_wait3A_80] : memref<1000000xf32, #tpu.memory_space<hbm>> -> memref<1000000xf32, #tpu.memory_space<hbm>>
    %dma_wait3A_82 = tpu.memref_slice %arg18[%dma_wait3A_79] : memref<4x!tpu.dma_semaphore, #tpu.memory_space<semaphore_mem>> -> memref<1x!tpu.dma_semaphore, #tpu.memory_space<semaphore_mem>>
    %dma_wait3A_83 = tpu.memref_squeeze %dma_wait3A_82 : memref<1x!tpu.dma_semaphore, #tpu.memory_space<semaphore_mem>> -> memref<!tpu.dma_semaphore, #tpu.memory_space<semaphore_mem>>
    tpu.wait_indirect_dma semaphore(%dma_wait3A_83 : memref<!tpu.dma_semaphore, #tpu.memory_space<semaphore_mem>>) src(%dma_wait3A_81 : memref<1000000xf32, #tpu.memory_space<hbm>>) dst(%arg11 : memref<512xf32, #tpu.memory_space<vmem>>)
    %dma_wait3A_84 = arith.constant 3 : i32
    %dma_wait3A_85 = arith.constant 0 : i32
    %dma_wait3A_86 = tpu.memref_slice %arg3[%dma_wait3A_85] : memref<1000000xf32, #tpu.memory_space<hbm>> -> memref<1000000xf32, #tpu.memory_space<hbm>>
    %dma_wait3A_87 = tpu.memref_slice %arg18[%dma_wait3A_84] : memref<4x!tpu.dma_semaphore, #tpu.memory_space<semaphore_mem>> -> memref<1x!tpu.dma_semaphore, #tpu.memory_space<semaphore_mem>>
    %dma_wait3A_88 = tpu.memref_squeeze %dma_wait3A_87 : memref<1x!tpu.dma_semaphore, #tpu.memory_space<semaphore_mem>> -> memref<!tpu.dma_semaphore, #tpu.memory_space<semaphore_mem>>
    tpu.wait_indirect_dma semaphore(%dma_wait3A_88 : memref<!tpu.dma_semaphore, #tpu.memory_space<semaphore_mem>>) src(%dma_wait3A_86 : memref<1000000xf32, #tpu.memory_space<hbm>>) dst(%arg12 : memref<512xf32, #tpu.memory_space<vmem>>)
    %scan3A = arith.constant 0 : i32
    %scan3A_89 = arith.constant 0 : i32
    %scan3A_90 = arith.constant 32 : i32
    %scan3A_91 = arith.addi %scan3A_89, %scan3A_90 : i32
    %scan3A_92 = arith.constant 1 : i32
    scf.for %scan3A_142 = %scan3A_89 to %scan3A_91 step %scan3A_92  : i32 {
      %mul3A_143 = arith.constant 16 : i32
      %mul3A_144 = arith.muli %scan3A_142, %mul3A_143 : i32
      %get3A = arith.index_cast %mul3A_144 : i32 to index
      %get3A_145 = tpu.vector_load %arg9[%get3A] {strides = array<i32>} : memref<512xf32, #tpu.memory_space<vmem>>, vector<16xf32>,
      %get3A_146 = vector.shape_cast %get3A_145 : vector<16xf32> to vector<16xf32>
      %get3A_147 = arith.index_cast %mul3A_144 : i32 to index
      %get3A_148 = tpu.vector_load %arg10[%get3A_147] {strides = array<i32>} : memref<512xf32, #tpu.memory_space<vmem>>, vector<16xf32>,
      %get3A_149 = vector.shape_cast %get3A_148 : vector<16xf32> to vector<16xf32>
      %get3A_150 = arith.index_cast %mul3A_144 : i32 to index
      %get3A_151 = tpu.vector_load %arg11[%get3A_150] {strides = array<i32>} : memref<512xf32, #tpu.memory_space<vmem>>, vector<16xf32>,
      %get3A_152 = vector.shape_cast %get3A_151 : vector<16xf32> to vector<16xf32>
      %get3A_153 = arith.index_cast %mul3A_144 : i32 to index
      %get3A_154 = tpu.vector_load %arg12[%get3A_153] {strides = array<i32>} : memref<512xf32, #tpu.memory_space<vmem>>, vector<16xf32>,
      %get3A_155 = vector.shape_cast %get3A_154 : vector<16xf32> to vector<16xf32>
      %add3A_156 = arith.addf %get3A_146, %get3A_149 : vector<16xf32>
      %add3A_157 = arith.addf %get3A_152, %get3A_155 : vector<16xf32>
      %add3A_158 = arith.addf %add3A_156, %add3A_157 : vector<16xf32>
      %mul3A_159 = arith.constant 4.000000e+00 : f32
      %mul3A_160 = vector.broadcast %mul3A_159 : f32 to vector<16xf32>
      %mul3A_161 = arith.mulf %mul3A_160, %get3A_146 : vector<16xf32>
      %sub3A = arith.subf %mul3A_161, %add3A_158 : vector<16xf32>
      %swap3A = arith.index_cast %mul3A_144 : i32 to index
      %swap3A_162 = tpu.vector_load %arg13[%swap3A] {strides = array<i32>} : memref<512xf32, #tpu.memory_space<vmem>>, vector<16xf32>,
      %swap3A_163 = vector.shape_cast %swap3A_162 : vector<16xf32> to vector<16xf32>
      %swap3A_164 = vector.shape_cast %sub3A : vector<16xf32> to vector<16xf32>
      tpu.vector_store %arg13[%swap3A], %swap3A_164 {strides = array<i32>} : memref<512xf32, #tpu.memory_space<vmem>>, vector<16xf32>,
      %mul3A_165 = arith.constant 4.000000e+00 : f32
      %mul3A_166 = vector.broadcast %mul3A_165 : f32 to vector<16xf32>
      %mul3A_167 = arith.mulf %mul3A_166, %get3A_149 : vector<16xf32>
      %sub3A_168 = arith.subf %mul3A_167, %add3A_158 : vector<16xf32>
      %swap3A_169 = arith.index_cast %mul3A_144 : i32 to index
      %swap3A_170 = tpu.vector_load %arg14[%swap3A_169] {strides = array<i32>} : memref<512xf32, #tpu.memory_space<vmem>>, vector<16xf32>,
      %swap3A_171 = vector.shape_cast %swap3A_170 : vector<16xf32> to vector<16xf32>
      %swap3A_172 = vector.shape_cast %sub3A_168 : vector<16xf32> to vector<16xf32>
      tpu.vector_store %arg14[%swap3A_169], %swap3A_172 {strides = array<i32>} : memref<512xf32, #tpu.memory_space<vmem>>, vector<16xf32>,
      %mul3A_173 = arith.constant 4.000000e+00 : f32
      %mul3A_174 = vector.broadcast %mul3A_173 : f32 to vector<16xf32>
      %mul3A_175 = arith.mulf %mul3A_174, %get3A_152 : vector<16xf32>
      %sub3A_176 = arith.subf %mul3A_175, %add3A_158 : vector<16xf32>
      %swap3A_177 = arith.index_cast %mul3A_144 : i32 to index
      %swap3A_178 = tpu.vector_load %arg15[%swap3A_177] {strides = array<i32>} : memref<512xf32, #tpu.memory_space<vmem>>, vector<16xf32>,
      %swap3A_179 = vector.shape_cast %swap3A_178 : vector<16xf32> to vector<16xf32>
      %swap3A_180 = vector.shape_cast %sub3A_176 : vector<16xf32> to vector<16xf32>
      tpu.vector_store %arg15[%swap3A_177], %swap3A_180 {strides = array<i32>} : memref<512xf32, #tpu.memory_space<vmem>>, vector<16xf32>,
      %mul3A_181 = arith.constant 4.000000e+00 : f32
      %mul3A_182 = vector.broadcast %mul3A_181 : f32 to vector<16xf32>
      %mul3A_183 = arith.mulf %mul3A_182, %get3A_155 : vector<16xf32>
      %sub3A_184 = arith.subf %mul3A_183, %add3A_158 : vector<16xf32>
      %swap3A_185 = arith.index_cast %mul3A_144 : i32 to index
      %swap3A_186 = tpu.vector_load %arg16[%swap3A_185] {strides = array<i32>} : memref<512xf32, #tpu.memory_space<vmem>>, vector<16xf32>,
      %swap3A_187 = vector.shape_cast %swap3A_186 : vector<16xf32> to vector<16xf32>
      %swap3A_188 = vector.shape_cast %sub3A_184 : vector<16xf32> to vector<16xf32>
      tpu.vector_store %arg16[%swap3A_185], %swap3A_188 {strides = array<i32>} : memref<512xf32, #tpu.memory_space<vmem>>, vector<16xf32>,
    }
    %scan3A_93 = arith.constant 32 : i32
    %add3A_94 = arith.constant 0 : i32
    %add3A_95 = arith.addi %add3A_94, %mul3A_2 : i32
    %dma_start3A_96 = arith.constant 0 : i32
    %dma_start3A_97 = tpu.memref_slice %arg4[%add3A_95] : memref<65536xf32, #tpu.memory_space<hbm>> -> memref<512xf32, #tpu.memory_space<hbm>>
    %dma_start3A_98 = tpu.memref_slice %arg19[%dma_start3A_96] : memref<4x!tpu.dma_semaphore, #tpu.memory_space<semaphore_mem>> -> memref<1x!tpu.dma_semaphore, #tpu.memory_space<semaphore_mem>>
    %dma_start3A_99 = tpu.memref_squeeze %dma_start3A_98 : memref<1x!tpu.dma_semaphore, #tpu.memory_space<semaphore_mem>> -> memref<!tpu.dma_semaphore, #tpu.memory_space<semaphore_mem>>
    %dma_start3A_100 = tpu.memref_slice %arg4[%add3A_95] : memref<65536xf32, #tpu.memory_space<hbm>> -> memref<512xf32, #tpu.memory_space<hbm>>
    tpu.enqueue_dma source(%arg13 : memref<512xf32, #tpu.memory_space<vmem>>) target(%dma_start3A_100 : memref<512xf32, #tpu.memory_space<hbm>>) target_semaphore(%dma_start3A_99 : memref<!tpu.dma_semaphore, #tpu.memory_space<semaphore_mem>>)
    %add3A_101 = arith.constant 16384 : i32
    %add3A_102 = arith.addi %add3A_101, %mul3A_2 : i32
    %dma_start3A_103 = arith.constant 1 : i32
    %dma_start3A_104 = tpu.memref_slice %arg4[%add3A_102] : memref<65536xf32, #tpu.memory_space<hbm>> -> memref<512xf32, #tpu.memory_space<hbm>>
    %dma_start3A_105 = tpu.memref_slice %arg19[%dma_start3A_103] : memref<4x!tpu.dma_semaphore, #tpu.memory_space<semaphore_mem>> -> memref<1x!tpu.dma_semaphore, #tpu.memory_space<semaphore_mem>>
    %dma_start3A_106 = tpu.memref_squeeze %dma_start3A_105 : memref<1x!tpu.dma_semaphore, #tpu.memory_space<semaphore_mem>> -> memref<!tpu.dma_semaphore, #tpu.memory_space<semaphore_mem>>
    %dma_start3A_107 = tpu.memref_slice %arg4[%add3A_102] : memref<65536xf32, #tpu.memory_space<hbm>> -> memref<512xf32, #tpu.memory_space<hbm>>
    tpu.enqueue_dma source(%arg14 : memref<512xf32, #tpu.memory_space<vmem>>) target(%dma_start3A_107 : memref<512xf32, #tpu.memory_space<hbm>>) target_semaphore(%dma_start3A_106 : memref<!tpu.dma_semaphore, #tpu.memory_space<semaphore_mem>>)
    %add3A_108 = arith.constant 32768 : i32
    %add3A_109 = arith.addi %add3A_108, %mul3A_2 : i32
    %dma_start3A_110 = arith.constant 2 : i32
    %dma_start3A_111 = tpu.memref_slice %arg4[%add3A_109] : memref<65536xf32, #tpu.memory_space<hbm>> -> memref<512xf32, #tpu.memory_space<hbm>>
    %dma_start3A_112 = tpu.memref_slice %arg19[%dma_start3A_110] : memref<4x!tpu.dma_semaphore, #tpu.memory_space<semaphore_mem>> -> memref<1x!tpu.dma_semaphore, #tpu.memory_space<semaphore_mem>>
    %dma_start3A_113 = tpu.memref_squeeze %dma_start3A_112 : memref<1x!tpu.dma_semaphore, #tpu.memory_space<semaphore_mem>> -> memref<!tpu.dma_semaphore, #tpu.memory_space<semaphore_mem>>
    %dma_start3A_114 = tpu.memref_slice %arg4[%add3A_109] : memref<65536xf32, #tpu.memory_space<hbm>> -> memref<512xf32, #tpu.memory_space<hbm>>
    tpu.enqueue_dma source(%arg15 : memref<512xf32, #tpu.memory_space<vmem>>) target(%dma_start3A_114 : memref<512xf32, #tpu.memory_space<hbm>>) target_semaphore(%dma_start3A_113 : memref<!tpu.dma_semaphore, #tpu.memory_space<semaphore_mem>>)
    %add3A_115 = arith.constant 49152 : i32
    %add3A_116 = arith.addi %add3A_115, %mul3A_2 : i32
    %dma_start3A_117 = arith.constant 3 : i32
    %dma_start3A_118 = tpu.memref_slice %arg4[%add3A_116] : memref<65536xf32, #tpu.memory_space<hbm>> -> memref<512xf32, #tpu.memory_space<hbm>>
    %dma_start3A_119 = tpu.memref_slice %arg19[%dma_start3A_117] : memref<4x!tpu.dma_semaphore, #tpu.memory_space<semaphore_mem>> -> memref<1x!tpu.dma_semaphore, #tpu.memory_space<semaphore_mem>>
    %dma_start3A_120 = tpu.memref_squeeze %dma_start3A_119 : memref<1x!tpu.dma_semaphore, #tpu.memory_space<semaphore_mem>> -> memref<!tpu.dma_semaphore, #tpu.memory_space<semaphore_mem>>
    %dma_start3A_121 = tpu.memref_slice %arg4[%add3A_116] : memref<65536xf32, #tpu.memory_space<hbm>> -> memref<512xf32, #tpu.memory_space<hbm>>
    tpu.enqueue_dma source(%arg16 : memref<512xf32, #tpu.memory_space<vmem>>) target(%dma_start3A_121 : memref<512xf32, #tpu.memory_space<hbm>>) target_semaphore(%dma_start3A_120 : memref<!tpu.dma_semaphore, #tpu.memory_space<semaphore_mem>>)
    %dma_wait3A_122 = arith.constant 0 : i32
    %dma_wait3A_123 = tpu.memref_slice %arg4[%add3A_95] : memref<65536xf32, #tpu.memory_space<hbm>> -> memref<512xf32, #tpu.memory_space<hbm>>
    %dma_wait3A_124 = tpu.memref_slice %arg19[%dma_wait3A_122] : memref<4x!tpu.dma_semaphore, #tpu.memory_space<semaphore_mem>> -> memref<1x!tpu.dma_semaphore, #tpu.memory_space<semaphore_mem>>
    %dma_wait3A_125 = tpu.memref_squeeze %dma_wait3A_124 : memref<1x!tpu.dma_semaphore, #tpu.memory_space<semaphore_mem>> -> memref<!tpu.dma_semaphore, #tpu.memory_space<semaphore_mem>>
    %dma_wait3A_126 = tpu.memref_slice %arg4[%add3A_95] : memref<65536xf32, #tpu.memory_space<hbm>> -> memref<512xf32, #tpu.memory_space<hbm>>
    tpu.wait_dma2 semaphore(%dma_wait3A_125 : memref<!tpu.dma_semaphore, #tpu.memory_space<semaphore_mem>>) src(%arg13 : memref<512xf32, #tpu.memory_space<vmem>>) dst(%dma_wait3A_126 : memref<512xf32, #tpu.memory_space<hbm>>)
    %dma_wait3A_127 = arith.constant 1 : i32
    %dma_wait3A_128 = tpu.memref_slice %arg4[%add3A_102] : memref<65536xf32, #tpu.memory_space<hbm>> -> memref<512xf32, #tpu.memory_space<hbm>>
    %dma_wait3A_129 = tpu.memref_slice %arg19[%dma_wait3A_127] : memref<4x!tpu.dma_semaphore, #tpu.memory_space<semaphore_mem>> -> memref<1x!tpu.dma_semaphore, #tpu.memory_space<semaphore_mem>>
    %dma_wait3A_130 = tpu.memref_squeeze %dma_wait3A_129 : memref<1x!tpu.dma_semaphore, #tpu.memory_space<semaphore_mem>> -> memref<!tpu.dma_semaphore, #tpu.memory_space<semaphore_mem>>
    %dma_wait3A_131 = tpu.memref_slice %arg4[%add3A_102] : memref<65536xf32, #tpu.memory_space<hbm>> -> memref<512xf32, #tpu.memory_space<hbm>>
    tpu.wait_dma2 semaphore(%dma_wait3A_130 : memref<!tpu.dma_semaphore, #tpu.memory_space<semaphore_mem>>) src(%arg14 : memref<512xf32, #tpu.memory_space<vmem>>) dst(%dma_wait3A_131 : memref<512xf32, #tpu.memory_space<hbm>>)
    %dma_wait3A_132 = arith.constant 2 : i32
    %dma_wait3A_133 = tpu.memref_slice %arg4[%add3A_109] : memref<65536xf32, #tpu.memory_space<hbm>> -> memref<512xf32, #tpu.memory_space<hbm>>
    %dma_wait3A_134 = tpu.memref_slice %arg19[%dma_wait3A_132] : memref<4x!tpu.dma_semaphore, #tpu.memory_space<semaphore_mem>> -> memref<1x!tpu.dma_semaphore, #tpu.memory_space<semaphore_mem>>
    %dma_wait3A_135 = tpu.memref_squeeze %dma_wait3A_134 : memref<1x!tpu.dma_semaphore, #tpu.memory_space<semaphore_mem>> -> memref<!tpu.dma_semaphore, #tpu.memory_space<semaphore_mem>>
    %dma_wait3A_136 = tpu.memref_slice %arg4[%add3A_109] : memref<65536xf32, #tpu.memory_space<hbm>> -> memref<512xf32, #tpu.memory_space<hbm>>
    tpu.wait_dma2 semaphore(%dma_wait3A_135 : memref<!tpu.dma_semaphore, #tpu.memory_space<semaphore_mem>>) src(%arg15 : memref<512xf32, #tpu.memory_space<vmem>>) dst(%dma_wait3A_136 : memref<512xf32, #tpu.memory_space<hbm>>)
    %dma_wait3A_137 = arith.constant 3 : i32
    %dma_wait3A_138 = tpu.memref_slice %arg4[%add3A_116] : memref<65536xf32, #tpu.memory_space<hbm>> -> memref<512xf32, #tpu.memory_space<hbm>>
    %dma_wait3A_139 = tpu.memref_slice %arg19[%dma_wait3A_137] : memref<4x!tpu.dma_semaphore, #tpu.memory_space<semaphore_mem>> -> memref<1x!tpu.dma_semaphore, #tpu.memory_space<semaphore_mem>>
    %dma_wait3A_140 = tpu.memref_squeeze %dma_wait3A_139 : memref<1x!tpu.dma_semaphore, #tpu.memory_space<semaphore_mem>> -> memref<!tpu.dma_semaphore, #tpu.memory_space<semaphore_mem>>
    %dma_wait3A_141 = tpu.memref_slice %arg4[%add3A_116] : memref<65536xf32, #tpu.memory_space<hbm>> -> memref<512xf32, #tpu.memory_space<hbm>>
    tpu.wait_dma2 semaphore(%dma_wait3A_140 : memref<!tpu.dma_semaphore, #tpu.memory_space<semaphore_mem>>) src(%arg16 : memref<512xf32, #tpu.memory_space<vmem>>) dst(%dma_wait3A_141 : memref<512xf32, #tpu.memory_space<hbm>>)
    return
  }
}

</mosaic_0001>

<sc_bundles>
// kernel: kernel.3.cloned.1.call-start
scs
__scs_entry_jumppad:
0x0: {  	(pc) =	sbr.rel $0x88, $3  }
0x1: {  	(tag) =	ssettag $0x0;
	lr =	simm.s32 $0x1  }
0x2: {  	[smem:$0x3F9F] =	sst lr;
	_ =	strace $0xD0000000  }
0x3: {  	_ = 	snop  }
0x4: {  	_ = 	snop  }
0x5: {  	_ = 	snop  }
0x6: {  	_ = 	snop  }
0x7: {  	_ = 	snop  }
__scs_overlays_trampoline_lowered:
0x8: {  	[smem:$0x3FAE] =	sst s0  }
0x9: {  	[smem:$0x3FAF] =	sst s1  }
0xa: {  	[smem:$0x3FB0] =	sst s2  }
0xb: {  	[smem:$0x3FB1] =	sst s3  }
0xc: {  	[smem:$0x3FB2] =	sst s4  }
0xd: {  	[smem:$0x3FB3] =	sst s5  }
0xe: {  	[smem:$0x3FB4] =	sst s6  }
0xf: {  	[smem:$0x3FB5] =	sst s7  }
0x10: {  	[smem:$0x3FB6] =	sst s8  }
0x11: {  	[smem:$0x3FB7] =	sst s9;
	s0 =	simm.s32 @!p0 $0x0  }
0x12: {  	s1 =	sld [smem:$0x3F9D];
	s0 =	simm.s32 @p0 $0x1  }
0x13: {  	[smem:$0x3FB8] =	sst s0;
	s0 =	simm.s32 @!p1 $0x0  }
0x14: {  	s2 =	sld [smem:$0x3F9C];
	s0 =	simm.s32 @p1 $0x1  }
0x15: {  	[smem:$0x3FB9] =	sst s0;
	s0 =	simm.s32 @!p2 $0x0  }
0x16: {  	s3 =	sld [smem:$0x3FDB];
	s0 =	simm.s32 @p2 $0x1  }
0x17: {  	s4 =	simm.s32 $0x1BF5;
	[smem:$0x3FBB] =	sst s0  }
0x18: {  	s0 =	sld [smem:$0x3F9E];
	_ =	swait.ge [sflag:s4], $0x0  }
0x19: {  	s7 =	sld [smem:$0x3F9F]  }
0x1a: {  	s8 =	sadd.s32 $0xFFFFE003, lr  }
0x1b: {  	s9 =	sadd.s32 $0xFFFFFEF7, lr;
	s5 =	simm.s32 $0xFFFFFFFF;
	p2 =	slt.u32 s8, $0xFFFFF086  }
0x1c: {  	p1 =	slt.u32 s9, $0xF7A;
	s5 =	simm.s32 @!p2 $0x0  }
0x1d: {  	s5 =	simm.s32 @p1 $0x1;
	p0 =	seq.s32 s7, s2  }
0x1e: {  	s7 =	smul.u32 @!p0 $0xF7A, s2;
	p2 =	seq.s32 @!p0 s5, $0x0  }
0x1f: {  	s9 =	smul.u32 $0xF7A, s1;
	s8 =	simm.s32 @!p0 $0x1BF5;
	p2 =	por !p2, p0  }
0x20: {  	[sflag:s8] =	ssyncset.s32 @!p0 $0xFFFFF086;
	s6 =	sadd.s32 @!p0 s3, s7;
	s7 =	simm.s32 @!p0 $0x108  }
0x21: {  	s3 =	sadd.s32 s3, s9;
	s6 =	sadd.s32 @!p0 $0x88, s6;
	s7 =	simm.s32 @p2 $0x1082  }
0x22: {  	[simem:s7], [sflag:s8] =	dma.local @!p0 [hbm:s6], $0xF7A  }
0x23: {  	s9 =	sor.u32 $0xD0000000, s2;
	s6 =	simm.s32 $0x108;
	_ =	swait.ge @!p0 [sflag:s8], $0x0  }
0x24: {  	s3 =	sadd.s32 $0x88, s3;
	s6 =	simm.s32 @!p1 $0x1082;
	[sflag:s4] =	ssyncset.s32 $0xFFFFF086  }
0x25: {  	[simem:s6], [sflag:s4] =	dma.local [hbm:s3], $0xF7A  }
0x26: {  	[smem:$0x3F9F] =	sst s1;
	(tag) =	ssettag s2;
	_ =	strace s9  }
0x27: {  	s1 =	sld [smem:$0x3FAF]  }
0x28: {  	s2 =	sld [smem:$0x3FB0]  }
0x29: {  	s4 =	sld [smem:$0x3FB2]  }
0x2a: {  	p0 =	seq.s32 s5, $0x0;
	s5 =	sld [smem:$0x3FB3]  }
0x2b: {  	s6 =	sld [smem:$0x3FB4]  }
0x2c: {  	s7 =	sld [smem:$0x3FB5]  }
0x2d: {  	s3 =	simm.s32 $0x108;
	s8 =	sld [smem:$0x3FB6]  }
0x2e: {  	s3 =	simm.s32 @!p0 $0x1082;
	s9 =	sld [smem:$0x3FB7]  }
0x2f: {  	lr =	sadd.s32 s0, s3;
	s0 =	sld [smem:$0x3FAE]  }
0x30: {  	s3 =	sld [smem:$0x3FB1]  }
0x31: {  	[smem:$0x3FBA] =	sst s10  }
0x32: {  	s10 =	sld [smem:$0x3FB8];
	_ =	sdelay $0x3  }
0x33: {  	p0 =	seq.s32 s10, $0x1;
	s10 =	sld [smem:$0x3FBA];
	_ =	sdelay $0x3  }
0x34: {  	[smem:$0x3FBA] =	sst s10  }
0x35: {  	s10 =	sld [smem:$0x3FB9];
	_ =	sdelay $0x3  }
0x36: {  	p1 =	seq.s32 s10, $0x1;
	s10 =	sld [smem:$0x3FBA];
	_ =	sdelay $0x3  }
0x37: {  	[smem:$0x3FBA] =	sst s10  }
0x38: {  	s10 =	sld [smem:$0x3FBB]  }
0x39: {  	_ = 	snop;
	(pc) =	sbr.ind lr, $3  }
0x3a: {  	_ = 	snop  }
0x3b: {  	_ = 	snop  }
0x3c: {  	p2 =	seq.s32 s10, $0x1;
	s10 =	sld [smem:$0x3FBA]  }
0x3d: {  	_ =	shalt  }
0x3e: {  	_ =	shalt  }
0x3f: {  	_ =	shalt  }
0x40: {  	_ =	shalt  }
0x41: {  	_ =	shalt  }
0x42: {  	_ =	shalt  }
0x43: {  	_ =	shalt  }
0x44: {  	_ =	shalt  }
0x45: {  	_ =	shalt  }
0x46: {  	_ =	shalt  }
0x47: {  	_ =	shalt  }
0x48: {  	_ =	shalt  }
0x49: {  	_ =	shalt  }
0x4a: {  	_ =	shalt  }
0x4b: {  	_ =	shalt  }
0x4c: {  	_ =	shalt  }
0x4d: {  	_ =	shalt  }
0x4e: {  	_ =	shalt  }
0x4f: {  	_ =	shalt  }
0x50: {  	_ =	shalt  }
0x51: {  	_ =	shalt  }
0x52: {  	_ =	shalt  }
0x53: {  	_ =	shalt  }
0x54: {  	_ =	shalt  }
0x55: {  	_ =	shalt  }
0x56: {  	_ =	shalt  }
0x57: {  	_ =	shalt  }
0x58: {  	_ =	shalt  }
0x59: {  	_ =	shalt  }
0x5a: {  	_ =	shalt  }
0x5b: {  	_ =	shalt  }
0x5c: {  	_ =	shalt  }
0x5d: {  	_ =	shalt  }
0x5e: {  	_ =	shalt  }
0x5f: {  	_ =	shalt  }
0x60: {  	_ =	shalt  }
0x61: {  	_ =	shalt  }
0x62: {  	_ =	shalt  }
0x63: {  	_ =	shalt  }
0x64: {  	_ =	shalt  }
0x65: {  	_ =	shalt  }
0x66: {  	_ =	shalt  }
0x67: {  	_ =	shalt  }
0x68: {  	_ =	shalt  }
0x69: {  	_ =	shalt  }
0x6a: {  	_ =	shalt  }
0x6b: {  	_ =	shalt  }
0x6c: {  	_ =	shalt  }
0x6d: {  	_ =	shalt  }
0x6e: {  	_ =	shalt  }
0x6f: {  	_ =	shalt  }
0x70: {  	_ =	shalt  }
0x71: {  	_ =	shalt  }
0x72: {  	_ =	shalt  }
0x73: {  	_ =	shalt  }
0x74: {  	_ =	shalt  }
0x75: {  	_ =	shalt  }
0x76: {  	_ =	shalt  }
0x77: {  	_ =	shalt  }
0x78: {  	_ =	shalt  }
0x79: {  	_ =	shalt  }
0x7a: {  	_ =	shalt  }
0x7b: {  	_ =	shalt  }
0x7c: {  	_ =	shalt  }
0x7d: {  	_ =	shalt  }
0x7e: {  	_ =	shalt  }
0x7f: {  	_ =	shalt  }
0x80: {  	_ =	shalt  }
0x81: {  	_ =	shalt  }
0x82: {  	_ =	shalt  }
0x83: {  	_ =	shalt  }
0x84: {  	_ =	shalt  }
0x85: {  	_ =	shalt  }
0x86: {  	_ =	shalt  }
0x87: {  	_ =	shalt  }
.Lfunc_end0:
.L_simem_size_0:
called_computation_lowered:
.L_overlay_start_0:
0x88: {  	s2 =	sld [smem:$0x3FD9]  }
0x89: {  	s3 =	sld [smem:$0x3FFE];
	_ =	sdelay $0x1  }
0x8a: {  	s1 =	srdreg.scid  }
0x8b: {  	s0 =	sand.u32 $0x1, s1  }
0x8c: {  	s17 =	sshll.u32 s0, $0xA;
	s2 =	sadd.s32 s3, s2  }
0x8d: {  	s2 =	sadd.s32 s2, s17  }
0x8e: {  	[smem:$0x3FC6] =	sst s2  }
0x8f: {  	_ = 	snop  }
0x90: {  	s2 =	sld [smem:$0x3FD0];
	(tm) =	ssettm $0x1  }
0x91: {  	s18 =	sld [smem:$0x3FFB];
	_ =	sdelay $0x3  }
0x92: {  	_ =	strace s18  }
0x93: {  	s3 =	sld [smem:$0x3FFC];
	_ =	sdelay $0x3  }
0x94: {  	_ =	strace s3  }
0x95: {  	s3 =	sld [smem:$0x3FFD];
	_ =	sdelay $0x3  }
0x96: {  	_ =	strace s3  }
0x97: {  	_ =	strace $0x8FFFFFFF  }
0x98: {  	s19 =	sld [smem:$0x3FDB];
	_ =	sdelay $0x1  }
0x99: {  	s4 =	simm.s32 $_scs_section_size  }
0x9a: {  	s5 =	simm.s32 $_size__tile_overlayer_lowered;
	s6 =	simm.s32 $_tile_overlayer_lowered  }
0x9b: {  	s22 =	simm.s32 $0x1BFF;
	s21 =	sshll.u32 s6, $0x1;
	s3 =	sadd.s32 s4, s19  }
0x9c: {  	s7 =	simm.s32 $0x0;
	s20 =	sshll.u32 s5, $0x1;
	s5 =	sadd.s32 s21, s3  }
0x9d: {  	[timem:s7], [sflag:s22] =	dma.local [hbm:s5], s20  }
0x9e: {  	_ =	swait.ge [sflag:s22], s20  }
0x9f: {  	s4 =	ssub.s32 $0x0, s20;
	[sflag:s22] =	ssyncset.done $0x0  }
0xa0: {  	[sflag:s22] =	ssyncadd.s32 s4;
	_ =	sdelay $0x1  }
0xa1: {  	s23 =	simm.s32 $0x1B8B  }
0xa2: {  	_ =	swait.ge [sflag:s23], $0x1  }
0xa3: {  	[sflag:s23] =	ssyncset.done $0x0  }
0xa4: {  	s25 =	simm.s32 $0x1B8E;
	s24 =	sld [smem:$0x3FFE];
	[sflag:s23] =	ssyncadd.s32 $0xFFFFFFFF  }
0xa5: {  	s26 =	simm.s32 $execute0_lowered;
	[smem:$0x3FD2] =	sst s25  }
0xa6: {  	s5 =	sshll.u32 s26, $0x1;
	_ =	strace $0x80000046;
	[dreg:$0x1] =	wrdreg $0xFFFFFFFF  }
0xa7: {  	s28 =	simm.s32 $_size_execute0_lowered;
	s3 =	sadd.s32 s3, s5;
	[dreg:$0x0] =	wrdreg $0x0  }
0xa8: {  	s5 =	sshll.u32 s28, $0x1;
	[dreg:$0x2] =	wrdreg s3  }
0xa9: {  	[dreg:$0x3] =	wrdreg s5  }
0xaa: {  	[dreg:$0x4] =	wrdreg $0xC0  }
0xab: {  	_ =	task [dreg:s7], $0x5FFFF  }
0xac: {  	[dreg:$0x1] =	wrdreg $0xFFFFFFFF  }
0xad: {  	[dreg:$0x0] =	wrdreg $0x60  }
0xae: {  	[dreg:$0x2] =	wrdreg s2  }
0xaf: {  	[dreg:$0x3] =	wrdreg s24  }
0xb0: {  	[dreg:$0x4] =	wrdreg $0x9  }
0xb1: {  	_ =	task.clear_ibuf [dreg:s7], $0x5FFFF;
	_ =	strace $0x90000046  }
0xb2: {  	s29 =	simm.s32 $0x9;
	_ =	strace $0x80000048  }
0xb3: {  	_ =	swait.ge [sflag:s29], $0x1  }
0xb4: {  	[sflag:s29] =	ssyncadd.s32 $0xFFFFFFFF  }
0xb5: {  	_ =	strace $0x90000048  }
0xb6: {  	_ =	sfence  }
0xb7: {  	s30 =	sld [smem:$0x0];
	_ =	sdelay $0x2  }
0xb8: {  	s31 =	sshll.u32 s1, $0xD;
	s1 =	sshrl.u32 s1, $0x2  }
0xb9: {  	s3 =	sand.u32 $0x4000, s31;
	s1 =	sadd.s32 s1, s30  }
0xba: {  	s0 =	sor.u32 s3, s0;
	s1 =	sshll.u32 s1, $0x11  }
0xbb: {  	s0 =	sor.u32 s1, s0  }
0xbc: {  	s0 =	sadd.s32 $0x8F2B, s0  }
0xbd: {  	[sflag:s0] =	ssyncadd.remote.s32 $0x1  }
0xbe: {  	_ =	sfence.sel $0xFFFF  }
0xbf: {  	[dreg:$0x0] =	wrdreg $0xFFFFFFFF;
	(pc) =	sbr.abs _section_cstart, $3  }
0xc0: {  	[dreg:$0x1] =	wrdreg $0xFFFFFFFF  }
0xc1: {  	_ =	task.clear_ibuf [dreg:s7], $0x2FFFF;
	_ =	strace $0x9FFFFFFF  }
0xc2: {  	(tm) =	ssettm $0x7FFFFFFF  }
0xc3: {  	_ =	shalt  }
tec
execute0_lowered:
.L_overlay_start_1:
0x0: {  	(tag) =	ssettag $0x1  }
0x1: {  	s0 =	rddreg [dreg:$0x0]  }
0x2: {  	s1 =	rddreg [dreg:$0x1];
	s2 =	simm.s32 $0x0;
	s3 =	srdreg.scid  }
0x3: {  	s6 =	stileid.u32;
	s14 =	simm.s32 $0x400;
	s15 =	simm.s32 $0x600  }
0x4: {  	s16 =	simm.s32 $0x1;
	s18 =	simm.s32 $0x2;
	s20 =	simm.s32 $0x3  }
0x5: {  	s22 =	simm.s32 $0x4;
	s24 =	simm.s32 $0x5;
	s25 =	simm.s32 $0x6  }
0x6: {  	s26 =	simm.s32 $0x7;
	s28 =	simm.s32 $0x8;
	s17 =	simm.s32 $0xA  }
0x7: {  	s19 =	simm.s32 $0xB;
	s21 =	simm.s32 $0xC;
	s23 =	simm.s32 $0x0  }
0x8: {  	[smem:$0x7FF] =	sst s2;
	s3 =	sand.u32 $0x1, s3;
	s6 =	sshll.u32 s6, $0x7  }
0x9: {  	s11 =	sadd.s32 $0x1EA00, s1;
	s4 =	ssub.s32 $0x2, s3;
	s3 =	sshll.u32 s3, $0x6  }
0xa: {  	_ =	strace $0x80000047;
	s5 =	sshrl.u32 s4, $0x1;
	s3 =	sor.u32 s3, s6  }
0xb: {  	s12 =	ssub.s32 s4, s5;
	s4 =	sadd.s32 s0, s3;
	s9 =	sor.u32 $0x800, s3  }
0xc: {  	s10 =	sor.u32 $0x1000, s3;
	s13 =	sor.u32 $0x1800, s3;
	s8 =	sadd.s32 s11, s3  }
0xd: {  	s3 =	simm.s32 $0x9;
	s5 =	sadd.s32 s0, s9;
	s6 =	sadd.s32 s0, s10  }
0xe: {  	s7 =	sadd.s32 s0, s13;
	s9 =	sadd.s32 s11, s9;
	s10 =	sadd.s32 s11, s10  }
0xf: {  	s11 =	sadd.s32 s11, s13;
	s12 =	smax.u32 s12, $0x1;
	s13 =	simm.s32 $0x200  }
.LBB2_1:
0x10: {  	[tilespmem:s2], [sflag:$0x1] =	stream.linear.gather [hbm4b:s4+s2], $0x200, $0x38;
	[tilespmem:$0x1800] =	vst v63  }
0x11: {  	_ = 	snop  }
0x12: {  	[tilespmem:s13], [sflag:$0x2] =	stream.linear.gather [hbm4b:s5+s2], $0x200, $0x38;
	[tilespmem:$0x1800] =	vst v63  }
0x13: {  	_ = 	snop  }
0x14: {  	[tilespmem:s14], [sflag:$0x3] =	stream.linear.gather [hbm4b:s6+s2], $0x200, $0x38;
	[tilespmem:$0x1800] =	vst v63  }
0x15: {  	_ = 	snop  }
0x16: {  	[tilespmem:s15], [sflag:$0x4] =	stream.linear.gather [hbm4b:s7+s2], $0x200, $0x38;
	[tilespmem:$0x1800] =	vst v63  }
0x17: {  	_ =	swait.ge [sflag:s16], $0x200  }
0x18: {  	[sflag:s16] =	ssyncset.done $0x0  }
0x19: {  	s0 =	simm.s32 $0x800;
	[sflag:s16] =	ssyncadd.s32 $0xFFFFFE00  }
0x1a: {  	[tilespmem:s0], [sflag:$0x5] =	stream.indirect.gather [hbm4b:s1+s13], $0x1, s2, s13, $0xb8;
	[tilespmem:$0x1800] =	vst v63  }
0x1b: {  	_ =	swait.ge [sflag:s18], $0x200  }
0x1c: {  	[sflag:s18] =	ssyncset.done $0x0  }
0x1d: {  	s0 =	simm.s32 $0xA00;
	[sflag:s18] =	ssyncadd.s32 $0xFFFFFE00  }
0x1e: {  	[tilespmem:s0], [sflag:$0x6] =	stream.indirect.gather [hbm4b:s1+s13], $0x1, s13, s13, $0xb8;
	[tilespmem:$0x1800] =	vst v63  }
0x1f: {  	_ =	swait.ge [sflag:s20], $0x200  }
0x20: {  	[sflag:s20] =	ssyncset.done $0x0  }
0x21: {  	s0 =	simm.s32 $0xC00;
	[sflag:s20] =	ssyncadd.s32 $0xFFFFFE00  }
0x22: {  	[tilespmem:s0], [sflag:$0x7] =	stream.indirect.gather [hbm4b:s1+s13], $0x1, s14, s13, $0xb8;
	[tilespmem:$0x1800] =	vst v63  }
0x23: {  	_ =	swait.ge [sflag:s22], $0x200  }
0x24: {  	[sflag:s22] =	ssyncset.done $0x0  }
0x25: {  	s0 =	simm.s32 $0xE00;
	[sflag:s22] =	ssyncadd.s32 $0xFFFFFE00  }
0x26: {  	[tilespmem:s0], [sflag:$0x8] =	stream.indirect.gather [hbm4b:s1+s13], $0x1, s15, s13, $0xb8;
	[tilespmem:$0x1800] =	vst v63  }
0x27: {  	_ =	swait.ge [sflag:s24], $0x200  }
0x28: {  	[sflag:s24] =	ssyncset.done $0x0  }
0x29: {  	[sflag:s24] =	ssyncadd.s32 $0xFFFFFE00  }
0x2a: {  	_ =	swait.ge [sflag:s25], $0x200  }
0x2b: {  	[sflag:s25] =	ssyncset.done $0x0  }
0x2c: {  	[sflag:s25] =	ssyncadd.s32 $0xFFFFFE00  }
0x2d: {  	_ =	swait.ge [sflag:s26], $0x200  }
0x2e: {  	[sflag:s26] =	ssyncset.done $0x0  }
0x2f: {  	[sflag:s26] =	ssyncadd.s32 $0xFFFFFE00  }
0x30: {  	_ =	swait.ge [sflag:s28], $0x200  }
0x31: {  	[sflag:s28] =	ssyncset.done $0x0  }
0x32: {  	s31 =	simm.s32 $0x0;
	[sflag:s28] =	ssyncadd.s32 $0xFFFFFE00  }
0x33: {  	v0 =	vld [tilespmem:s31+$0x800]  }
0x34: {  	v1 =	vld [tilespmem:s31+$0xA00]  }
0x35: {  	v3 =	vld [tilespmem:s31+$0xC00]  }
0x36: {  	v2 =	vld [tilespmem:s31+$0xE00];
	_ =	sdelay $0x1  }
0x37: {  	s29 =	simm.s32 $0x10  }
0x38: {  	v4 =	vld [tilespmem:s29+$0x800]  }
0x39: {  	v6 =	vld [tilespmem:s29+$0xA00]  }
0x3a: {  	v8 =	vld [tilespmem:s29+$0xC00];
	v5 =	vadd.f32 v1, v0;
	v7 =	vadd.f32 v2, v3  }
0x3b: {  	v9 =	vld [tilespmem:s29+$0xE00]  }
0x3c: {  	v7 =	vadd.f32 v7, v5;
	v5 =	vmul.f32 $4.000000000e+00, v2  }
0x3d: {  	s30 =	simm.s32 $0x20;
	v10 =	vmul.f32 $4.000000000e+00, v0  }
0x3e: {  	v11 =	vmul.f32 $4.000000000e+00, v1;
	v1 =	vld [tilespmem:s30+$0xA00];
	v5 =	vsub.f32 v5, v7  }
0x3f: {  	v12 =	vmul.f32 $4.000000000e+00, v3;
	v13 =	vadd.f32 v6, v4;
	v2 =	vld [tilespmem:s30+$0x800];
	v10 =	vsub.f32 v10, v7  }
0x40: {  	v0 =	vld [tilespmem:s30+$0xC00];
	v14 =	vadd.f32 v9, v8;
	v11 =	vsub.f32 v11, v7;
	[tilespmem:s31+$0x1600] =	vst v5  }
0x41: {  	v3 =	vmul.f32 $4.000000000e+00, v8;
	v8 =	vsub.f32 v12, v7;
	v5 =	vmul.f32 $4.000000000e+00, v4;
	v4 =	vld [tilespmem:s30+$0xE00];
	[tilespmem:s31+$0x1000] =	vst v10  }
0x42: {  	s0 =	simm.s32 $0xC0;
	v6 =	vmul.f32 $4.000000000e+00, v6;
	v9 =	vmul.f32 $4.000000000e+00, v9;
	v7 =	vadd.f32 v14, v13;
	[tilespmem:s31+$0x1200] =	vst v11  }
.LBB2_2:
0x43: {  	[tilespmem:s31+$0x1400] =	vst v8;
	s31 =	smov.u32 s29  }
0x44: {  	v10 =	vmul.f32 $4.000000000e+00, v2;
	v11 =	vmov v2;
	s29 =	smov.u32 s30;
	s30 =	sshra.s32 s0, $0x2;
	p0 =	sne.s32 s0, $0x7C0  }
.Ltmp0:
0x45: {  	v2 =	vld [tilespmem:s30+$0x800];
	v12 =	vmul.f32 $4.000000000e+00, v1;
	v13 =	vsub.f32 v5, v7;
	v16 =	vsub.f32 v9, v7;
	v14 =	vmovc v1;
	(pc) =	sbr.rel @p0 .LBB2_2-.Ltmp0, $4  }
0x46: {  	v15 =	vsub.f32 v6, v7;
	v8 =	vsub.f32 v3, v7;
	v1 =	vld [tilespmem:s30+$0xA00];
	v3 =	vmul.f32 $4.000000000e+00, v0;
	v5 =	vmovc v10  }
0x47: {  	s0 =	sadd.s32 $0x40, s0;
	v7 =	vadd.f32 v14, v11;
	v10 =	vadd.f32 v4, v0;
	v0 =	vld [tilespmem:s30+$0xC00];
	[tilespmem:s31+$0x1600] =	vst v16;
	v6 =	vmovc v12;
	v9 =	vmov v4  }
0x48: {  	v4 =	vld [tilespmem:s30+$0xE00];
	[tilespmem:s31+$0x1000] =	vst v13  }
0x49: {  	v9 =	vmul.f32 $4.000000000e+00, v9;
	v7 =	vadd.f32 v10, v7;
	[tilespmem:s31+$0x1200] =	vst v15  }
0x4a: {  	_ =	sdelay $0x1  }
0x4b: {  	v9 =	vsub.f32 v9, v7  }
0x4c: {  	v10 =	vadd.f32 v1, v2;
	v11 =	vadd.f32 v4, v0  }
0x4d: {  	[tilespmem:s31+$0x1400] =	vst v8;
	v5 =	vsub.f32 v5, v7  }
0x4e: {  	v6 =	vsub.f32 v6, v7;
	[tilespmem:s29+$0x1600] =	vst v9;
	v60 =	vmul.f32 $4.000000000e+00, v4;
	v59 =	vadd.f32 v11, v10  }
0x4f: {  	v61 =	vmul.f32 $4.000000000e+00, v2;
	v3 =	vsub.f32 v3, v7;
	[tilespmem:s29+$0x1000] =	vst v5  }
0x50: {  	v62 =	vmul.f32 $4.000000000e+00, v1;
	[tilespmem:s29+$0x1200] =	vst v6;
	v4 =	vsub.f32 v60, v59  }
0x51: {  	v63 =	vmul.f32 $4.000000000e+00, v0;
	[tilespmem:s29+$0x1400] =	vst v3;
	v2 =	vsub.f32 v61, v59  }
0x52: {  	v1 =	vsub.f32 v62, v59;
	[tilespmem:s30+$0x1600] =	vst v4  }
0x53: {  	v0 =	vsub.f32 v63, v59;
	[tilespmem:s30+$0x1000] =	vst v2  }
0x54: {  	[tilespmem:s30+$0x1200] =	vst v1  }
0x55: {  	s0 =	simm.s32 $0x1000;
	[tilespmem:s30+$0x1400] =	vst v0  }
0x56: {  	[hbm4b:s8+s2] =	stream.linear.scatter [tilespmem:s0], [sflag:$0x9], $0x200, $0x38;
	[tilespmem:$0x1800] =	vst v63  }
0x57: {  	s29 =	simm.s32 $0x1200  }
0x58: {  	[hbm4b:s9+s2] =	stream.linear.scatter [tilespmem:s29], [sflag:$0xA], $0x200, $0x38;
	[tilespmem:$0x1800] =	vst v63  }
0x59: {  	s30 =	simm.s32 $0x1400  }
0x5a: {  	[hbm4b:s10+s2] =	stream.linear.scatter [tilespmem:s30], [sflag:$0xB], $0x200, $0x38;
	[tilespmem:$0x1800] =	vst v63  }
0x5b: {  	s31 =	simm.s32 $0x1600  }
0x5c: {  	[hbm4b:s11+s2] =	stream.linear.scatter [tilespmem:s31], [sflag:$0xC], $0x200, $0x38;
	[tilespmem:$0x1800] =	vst v63  }
0x5d: {  	_ =	swait.ge [sflag:s3], $0x200  }
0x5e: {  	[sflag:s3] =	ssyncset.done $0x0  }
0x5f: {  	[sflag:s3] =	ssyncadd.s32 $0xFFFFFE00  }
0x60: {  	_ =	swait.ge [sflag:s17], $0x200  }
0x61: {  	[sflag:s17] =	ssyncset.done $0x0  }
0x62: {  	s23 =	sadd.s32 $0x1, s23;
	[sflag:s17] =	ssyncadd.s32 $0xFFFFFE00  }
0x63: {  	p0 =	sne.s32 s23, s12;
	_ =	swait.ge [sflag:s19], $0x200  }
.Ltmp1:
0x64: {  	[sflag:s19] =	ssyncset.done $0x0;
	(pc) =	sbr.rel @p0 .LBB2_1-.Ltmp1, $4  }
0x65: {  	[sflag:s19] =	ssyncadd.s32 $0xFFFFFE00  }
0x66: {  	_ =	swait.ge [sflag:s21], $0x200  }
0x67: {  	[sflag:s21] =	ssyncset.done $0x0  }
0x68: {  	[sflag:s21] =	ssyncadd.s32 $0xFFFFFE00  }
0x69: {  	_ =	sfence.sel $0x180000  }
0x6a: {  	[bflag:$0x0] =	sbarrier.arrive $0xFFFF  }
0x6b: {  	_ =	strace $0x90000047  }
0x6c: {  	s0 =	stileid.u32;
	[bflag:$0x2] =	sbarrier.arrive $0xFFFF  }
0x6d: {  	p0 =	sne.s32 s0, $0x0;
	s0 =	rddreg [dreg:$0x2]  }
0x6e: {  	s0 =	sadd.s32 @!p0 $0x100000, s0  }
0x6f: {  	[sflag:s0] =	ssyncadd.tile.s32 @!p0 $0x1;
	_ =	shalt  }
.Lfunc_end2:
_tile_overlayer_lowered:
.L_overlay_start_2:
0x70: {  	(tag) =	ssettag $0x2  }
0x71: {  	s0 =	rddreg [dreg:$0x0];
	s2 =	stileid.u32  }
0x72: {  	s1 =	rddreg [dreg:$0x1];
	p0 =	sne.s32 s2, $0x0  }
0x73: {  	s3 =	rddreg [dreg:$0x2];
	[bflag:$0x3] =	sbarrier.arrive $0xFFFF;
	s2 =	simm.s32 @!p0 $0x1C0D  }
0x74: {  	[timem:s3], [sflag:s2] =	dma.local @!p0 [hbm:s0], s1  }
0x75: {  	s0 =	simm.s32 @!p0 $0xD  }
0x76: {  	_ =	swait.ge @!p0 [sflag:s0], s1  }
0x77: {  	s1 =	ssub.s32 @!p0 $0x0, s1;
	[sflag:s0] =	ssyncset.done @!p0 $0x0  }
0x78: {  	[sflag:s0] =	ssyncadd.s32 @!p0 s1  }
0x79: {  	[bflag:$0x3] =	sbarrier.arrive $0xFFFF  }
0x7a: {  	_ =	shalt  }

</sc_bundles>
